<compile_context>
chip_gen: v7x
topology: tpu7x:2x2x1
jax: 0.10.2.dev20260603
libtpu: 0.0.44.dev20260713+nightly
codegen_flags: <defaults>
</compile_context>

<pallas_src>
import jax
import jax.numpy as jnp
from jax import lax
from jax.experimental import pallas as pl
from jax.experimental.pallas import tpu as pltpu

_N = 5000
_ROWS = 40
_L = 128
_PAD = _ROWS * _L
_IOU_THRESH = 0.6
_MIN_SIZE = 5.0
_MAX_SIZE = 300.0
_MIN_ASPECT = 0.5
_MAX_ASPECT = 8.0
_MIN_CONFIDENCE = 0.3


def _nms_filter_kernel(dets_ref, out_ref, act_ref, area_ref):
    f32 = jnp.float32
    sub_i = lax.broadcasted_iota(jnp.int32, (_L, _L), 0)
    lane_i = lax.broadcasted_iota(jnp.int32, (_L, _L), 1)
    rank_lt = sub_i < lane_i

    x1a = dets_ref[1]
    y1a = dets_ref[2]
    x2a = dets_ref[3]
    y2a = dets_ref[4]
    area_ref[...] = (jnp.maximum(x2a - x1a, 0.0)
                     * jnp.maximum(y2a - y1a, 0.0))
    act_ref[...] = jnp.ones((_ROWS, 1, _L), f32)

    def row_to_colb(v_row):
        v_rb = jnp.broadcast_to(v_row, (_L, _L))
        return v_rb.T

    def outer(r, carry):
        x1r = dets_ref[1, r]
        y1r = dets_ref[2, r]
        x2r = dets_ref[3, r]
        y2r = dets_ref[4, r]
        arear = area_ref[r]
        x1cb = row_to_colb(x1r)
        y1cb = row_to_colb(y1r)
        x2cb = row_to_colb(x2r)
        y2cb = row_to_colb(y2r)
        area_cb = row_to_colb(arear)

        xx1 = jnp.maximum(x1cb, x1r)
        yy1 = jnp.maximum(y1cb, y1r)
        xx2 = jnp.minimum(x2cb, x2r)
        yy2 = jnp.minimum(y2cb, y2r)
        inter = jnp.maximum(xx2 - xx1, 0.0) * jnp.maximum(yy2 - yy1, 0.0)
        iou = inter / (area_cb + arear - inter + 1e-9)
        m_mat = jnp.where((iou > _IOU_THRESH) & rank_lt, 1.0, 0.0)

        act_pre = act_ref[r]

        def cond(st):
            return st[2]

        def fbody(st):
            k_row, kcb, _ = st
            sup = jnp.max(m_mat * kcb, axis=0, keepdims=True) > 0.0
            k_new = jnp.where(sup, 0.0, act_pre)
            changed = jnp.any(k_new != k_row)
            return (k_new, row_to_colb(k_new), changed)

        k_fin, kcb_fin, _ = lax.while_loop(
            cond, fbody, (act_pre, row_to_colb(act_pre), jnp.bool_(True))
        )
        act_ref[r] = k_fin

        def cross(m, c2):
            x1m = dets_ref[1, m]
            y1m = dets_ref[2, m]
            x2m = dets_ref[3, m]
            y2m = dets_ref[4, m]
            aream = area_ref[m]
            cx1 = jnp.maximum(x1cb, x1m)
            cy1 = jnp.maximum(y1cb, y1m)
            cx2 = jnp.minimum(x2cb, x2m)
            cy2 = jnp.minimum(y2cb, y2m)
            cin = jnp.maximum(cx2 - cx1, 0.0) * jnp.maximum(cy2 - cy1, 0.0)
            ciou = cin / (area_cb + aream - cin + 1e-9)
            hit = jnp.where(ciou > _IOU_THRESH, kcb_fin, 0.0)
            sup2 = jnp.max(hit, axis=0, keepdims=True) > 0.0
            act_ref[m] = jnp.where(sup2, 0.0, act_ref[m])
            return c2

        lax.fori_loop(r + 1, _ROWS, cross, 0)
        return carry

    lax.fori_loop(0, _ROWS, outer, 0)

    keep = act_ref[...] > 0.0
    w = x2a - x1a
    h = y2a - y1a
    aspect = jnp.where(w > 0.0, h / jnp.maximum(w, 1e-9), 0.0)
    size_ok = (
        (w >= _MIN_SIZE)
        & (h >= _MIN_SIZE)
        & (w <= _MAX_SIZE)
        & (h <= _MAX_SIZE)
        & (aspect >= _MIN_ASPECT)
        & (aspect <= _MAX_ASPECT)
    )
    s0 = dets_ref[5]
    s1 = dets_ref[6]
    s2 = dets_ref[7]
    s3 = dets_ref[8]
    conf = jnp.maximum(jnp.maximum(s0, s1), jnp.maximum(s2, s3))
    conf_ok = conf >= _MIN_CONFIDENCE
    valid_type = jnp.maximum(jnp.maximum(s1, s2), s3) > s0
    fmask = (keep & size_ok & conf_ok & valid_type).astype(f32)
    for c in range(9):
        out_ref[c] = dets_ref[c] * fmask


def _run_nms(dets9):
    return pl.pallas_call(
        _nms_filter_kernel,
        out_shape=jax.ShapeDtypeStruct((9, _ROWS, 1, _L), jnp.float32),
        scratch_shapes=[
            pltpu.VMEM((_ROWS, 1, _L), jnp.float32),
            pltpu.VMEM((_ROWS, 1, _L), jnp.float32),
        ],
    )(dets9)


def kernel(detections):
    scores = jnp.max(detections[:, 5:9], axis=1)
    order = jnp.argsort(-scores)
    det_t = detections.T
    det_st = jnp.take(det_t, order, axis=1)
    padded = jnp.zeros((9, _PAD), jnp.float32).at[:, :_N].set(det_st)
    dets9 = padded.reshape(9, _ROWS, 1, _L)
    out = _run_nms(dets9)
    return out.reshape(9, _PAD).T[:_N]

# --- scband reference (transcript-rebuilt; emitter-appended) ---
"""Pipeline reference for scband-pipeline-86431921865193 (READ-ONLY COPY).

The authoritative reference and input builder live on the scoring server;
editing this copy changes nothing except your own understanding.
"""

import jax, jax.numpy as jnp
import numpy as np

N = 5000
IOU_THRESH = 0.6
MIN_SIZE = 5.0
MAX_SIZE = 300.0
MIN_ASPECT = 0.5
MAX_ASPECT = 8.0
MIN_CONFIDENCE = 0.3


def setup_inputs(seed: int = 0) -> dict:
    key = jax.random.key(seed)
    k1, k2, k3, k4 = jax.random.split(key, 4)
    cx = jax.random.uniform(k1, (N,), minval=0.0, maxval=1920.0)
    cy = jax.random.uniform(k2, (N,), minval=0.0, maxval=1080.0)
    wh = jax.random.uniform(k3, (N, 2), minval=4.0, maxval=320.0)
    x1 = cx - wh[:, 0] / 2.0
    x2 = cx + wh[:, 0] / 2.0
    y1 = cy - wh[:, 1] / 2.0
    y2 = cy + wh[:, 1] / 2.0
    scores = jax.random.uniform(k4, (N, 4), minval=0.0, maxval=1.0)
    ids = jnp.zeros((N, 1), dtype=jnp.float32)
    detections = jnp.concatenate(
        [ids, x1[:, None], y1[:, None], x2[:, None], y2[:, None], scores], axis=1
    ).astype(jnp.float32)
    return {"detections": detections}


def _nms_keep(boxes, iou_thresh):
    # Greedy NMS over score-sorted boxes; returns boolean keep mask.
    boxes = jax.lax.stop_gradient(boxes)
    x1, y1, x2, y2 = boxes[:, 0], boxes[:, 1], boxes[:, 2], boxes[:, 3]
    areas = jnp.maximum(x2 - x1, 0.0) * jnp.maximum(y2 - y1, 0.0)
    n = boxes.shape[0]
    idx = jnp.arange(n)

    def body(i, keep):
        xx1 = jnp.maximum(x1[i], x1)
        yy1 = jnp.maximum(y1[i], y1)
        xx2 = jnp.minimum(x2[i], x2)
        yy2 = jnp.minimum(y2[i], y2)
        inter = jnp.maximum(xx2 - xx1, 0.0) * jnp.maximum(yy2 - yy1, 0.0)
        iou = inter / (areas[i] + areas - inter + 1e-9)
        suppress = (iou > iou_thresh) & (idx > i) & keep[i]
        return keep & (~suppress)

    return jax.lax.fori_loop(0, n, body, jnp.ones((n,), dtype=bool))


def reference(detections):
    # Faithful JAX translation of the Pipeline.detect() post-detector core:
    # score = max over class scores, sort desc, greedy NMS @ 0.6 IoU,
    # size/aspect filtering, confidence >= 0.3, and type != 0 validity.
    # Filtered-out rows are zero-masked to keep shapes static.
    scores = jnp.max(detections[:, 5:9], axis=1)
    order = jnp.argsort(-scores)
    det_s = jnp.take(detections, order, axis=0)
    boxes = det_s[:, 1:5]
    keep = _nms_keep(boxes, IOU_THRESH)
    w = boxes[:, 2] - boxes[:, 0]
    h = boxes[:, 3] - boxes[:, 1]
    aspect = jnp.where(w > 0, h / jnp.maximum(w, 1e-9), 0.0)
    size_ok = (
        (w >= MIN_SIZE)
        & (h >= MIN_SIZE)
        & (w <= MAX_SIZE)
        & (h <= MAX_SIZE)
        & (aspect >= MIN_ASPECT)
        & (aspect <= MAX_ASPECT)
    )
    conf = jnp.max(det_s[:, 5:9], axis=1)
    conf_ok = conf >= MIN_CONFIDENCE
    tl_types = jnp.argmax(det_s[:, 5:9], axis=1)
    valid_type = tl_types != 0
    final_mask = keep & size_ok & conf_ok & valid_type
    valid_detections = det_s * final_mask[:, None].astype(det_s.dtype)
    return valid_detections

if __name__ == "__main__":
    import jax
    _d = setup_inputs()
    print(jax.jit(kernel)(*tuple(_d.values())))

</pallas_src>

<mosaic_0001>
module attributes {stable_mosaic.version = 14 : i64} {
  func.func @_nms_filter_kernel(%arg0: memref<9x40x1x128xf32, #tpu.memory_space<vmem>>, %arg1: memref<9x40x1x128xf32, #tpu.memory_space<vmem>>, %arg2: memref<40x1x128xf32, #tpu.memory_space<vmem>>, %arg3: memref<40x1x128xf32, #tpu.memory_space<vmem>>) attributes {dimension_semantics = [], scalar_prefetch = 0 : i64, scratch_operands = 2 : i64, tpu.core_type = #tpu.core_type<tc>} {
    %iota3A = tpu.iota {dimensions = array<i32: 0>} : vector<128x128xi32>
    %iota3A_0 = tpu.iota {dimensions = array<i32: 1>} : vector<128x128xi32>
    %lt3A = arith.cmpi slt, %iota3A, %iota3A_0 : vector<128x128xi32>
    %get3A = arith.constant 1 : index
    %get3A_1 = arith.constant 0 : index
    %get3A_2 = arith.constant 0 : index
    %get3A_3 = arith.constant 0 : index
    %get3A_4 = vector.load %arg0[%get3A, %get3A_1, %get3A_2, %get3A_3] : memref<9x40x1x128xf32, #tpu.memory_space<vmem>>, vector<1x40x1x128xf32>
    %get3A_5 = vector.shape_cast %get3A_4 : vector<1x40x1x128xf32> to vector<40x1x128xf32>
    %get3A_6 = arith.constant 2 : index
    %get3A_7 = arith.constant 0 : index
    %get3A_8 = arith.constant 0 : index
    %get3A_9 = arith.constant 0 : index
    %get3A_10 = vector.load %arg0[%get3A_6, %get3A_7, %get3A_8, %get3A_9] : memref<9x40x1x128xf32, #tpu.memory_space<vmem>>, vector<1x40x1x128xf32>
    %get3A_11 = vector.shape_cast %get3A_10 : vector<1x40x1x128xf32> to vector<40x1x128xf32>
    %get3A_12 = arith.constant 3 : index
    %get3A_13 = arith.constant 0 : index
    %get3A_14 = arith.constant 0 : index
    %get3A_15 = arith.constant 0 : index
    %get3A_16 = vector.load %arg0[%get3A_12, %get3A_13, %get3A_14, %get3A_15] : memref<9x40x1x128xf32, #tpu.memory_space<vmem>>, vector<1x40x1x128xf32>
    %get3A_17 = vector.shape_cast %get3A_16 : vector<1x40x1x128xf32> to vector<40x1x128xf32>
    %get3A_18 = arith.constant 4 : index
    %get3A_19 = arith.constant 0 : index
    %get3A_20 = arith.constant 0 : index
    %get3A_21 = arith.constant 0 : index
    %get3A_22 = vector.load %arg0[%get3A_18, %get3A_19, %get3A_20, %get3A_21] : memref<9x40x1x128xf32, #tpu.memory_space<vmem>>, vector<1x40x1x128xf32>
    %get3A_23 = vector.shape_cast %get3A_22 : vector<1x40x1x128xf32> to vector<40x1x128xf32>
    %sub3A = arith.subf %get3A_17, %get3A_5 : vector<40x1x128xf32>
    %max3A = arith.constant 0.000000e+00 : f32
    %max3A_24 = vector.broadcast %max3A : f32 to vector<40x1x128xf32>
    %max3A_25 = arith.maximumf %sub3A, %max3A_24 : vector<40x1x128xf32>
    %sub3A_26 = arith.subf %get3A_23, %get3A_11 : vector<40x1x128xf32>
    %max3A_27 = arith.constant 0.000000e+00 : f32
    %max3A_28 = vector.broadcast %max3A_27 : f32 to vector<40x1x128xf32>
    %max3A_29 = arith.maximumf %sub3A_26, %max3A_28 : vector<40x1x128xf32>
    %mul3A = arith.mulf %max3A_25, %max3A_29 : vector<40x1x128xf32>
    %swap3A = arith.constant 0 : index
    %swap3A_30 = arith.constant 0 : index
    %swap3A_31 = arith.constant 0 : index
    %swap3A_32 = vector.load %arg3[%swap3A, %swap3A_30, %swap3A_31] : memref<40x1x128xf32, #tpu.memory_space<vmem>>, vector<40x1x128xf32>
    tpu.vector_store %arg3[%swap3A, %swap3A_30, %swap3A_31], %mul3A {strides = array<i32>} : memref<40x1x128xf32, #tpu.memory_space<vmem>>, vector<40x1x128xf32>,
    %broadcast_in_dim3A = arith.constant 1.000000e+00 : f32
    %broadcast_in_dim3A_33 = vector.broadcast %broadcast_in_dim3A : f32 to vector<40x1x128xf32>
    %swap3A_34 = arith.constant 0 : index
    %swap3A_35 = arith.constant 0 : index
    %swap3A_36 = arith.constant 0 : index
    %swap3A_37 = vector.load %arg2[%swap3A_34, %swap3A_35, %swap3A_36] : memref<40x1x128xf32, #tpu.memory_space<vmem>>, vector<40x1x128xf32>
    tpu.vector_store %arg2[%swap3A_34, %swap3A_35, %swap3A_36], %broadcast_in_dim3A_33 {strides = array<i32>} : memref<40x1x128xf32, #tpu.memory_space<vmem>>, vector<40x1x128xf32>,
    %scan3A = arith.constant 0 : i32
    %scan3A_38 = arith.constant 40 : i32
    %scan3A_39 = arith.addi %scan3A, %scan3A_38 : i32
    %scan3A_40 = arith.constant 1 : i32
    scf.for %scan3A_240 = %scan3A to %scan3A_39 step %scan3A_40  : i32 {
      %get3A_241 = arith.constant 1 : index
      %get3A_242 = arith.index_cast %scan3A_240 : i32 to index
      %get3A_243 = arith.constant 0 : index
      %get3A_244 = arith.constant 0 : index
      %get3A_245 = vector.load %arg0[%get3A_241, %get3A_242, %get3A_243, %get3A_244] : memref<9x40x1x128xf32, #tpu.memory_space<vmem>>, vector<1x1x1x128xf32>
      %get3A_246 = vector.shape_cast %get3A_245 : vector<1x1x1x128xf32> to vector<1x128xf32>
      %get3A_247 = arith.constant 2 : index
      %get3A_248 = arith.index_cast %scan3A_240 : i32 to index
      %get3A_249 = arith.constant 0 : index
      %get3A_250 = arith.constant 0 : index
      %get3A_251 = vector.load %arg0[%get3A_247, %get3A_248, %get3A_249, %get3A_250] : memref<9x40x1x128xf32, #tpu.memory_space<vmem>>, vector<1x1x1x128xf32>
      %get3A_252 = vector.shape_cast %get3A_251 : vector<1x1x1x128xf32> to vector<1x128xf32>
      %get3A_253 = arith.constant 3 : index
      %get3A_254 = arith.index_cast %scan3A_240 : i32 to index
      %get3A_255 = arith.constant 0 : index
      %get3A_256 = arith.constant 0 : index
      %get3A_257 = vector.load %arg0[%get3A_253, %get3A_254, %get3A_255, %get3A_256] : memref<9x40x1x128xf32, #tpu.memory_space<vmem>>, vector<1x1x1x128xf32>
      %get3A_258 = vector.shape_cast %get3A_257 : vector<1x1x1x128xf32> to vector<1x128xf32>
      %get3A_259 = arith.constant 4 : index
      %get3A_260 = arith.index_cast %scan3A_240 : i32 to index
      %get3A_261 = arith.constant 0 : index
      %get3A_262 = arith.constant 0 : index
      %get3A_263 = vector.load %arg0[%get3A_259, %get3A_260, %get3A_261, %get3A_262] : memref<9x40x1x128xf32, #tpu.memory_space<vmem>>, vector<1x1x1x128xf32>
      %get3A_264 = vector.shape_cast %get3A_263 : vector<1x1x1x128xf32> to vector<1x128xf32>
      %get3A_265 = arith.index_cast %scan3A_240 : i32 to index
      %get3A_266 = arith.constant 0 : index
      %get3A_267 = arith.constant 0 : index
      %get3A_268 = vector.load %arg3[%get3A_265, %get3A_266, %get3A_267] : memref<40x1x128xf32, #tpu.memory_space<vmem>>, vector<1x1x128xf32>
      %get3A_269 = vector.shape_cast %get3A_268 : vector<1x1x128xf32> to vector<1x128xf32>
      %broadcast_in_dim3A_270 = vector.shape_cast %get3A_246 : vector<1x128xf32> to vector<1x128xf32>
      %broadcast_in_dim3A_271 = vector.broadcast %broadcast_in_dim3A_270 : vector<1x128xf32> to vector<128x128xf32>
      %transpose3A = tpu.transpose %broadcast_in_dim3A_271, [1, 0] : vector<128x128xf32> -> vector<128x128xf32>
      %broadcast_in_dim3A_272 = vector.shape_cast %get3A_252 : vector<1x128xf32> to vector<1x128xf32>
      %broadcast_in_dim3A_273 = vector.broadcast %broadcast_in_dim3A_272 : vector<1x128xf32> to vector<128x128xf32>
      %transpose3A_274 = tpu.transpose %broadcast_in_dim3A_273, [1, 0] : vector<128x128xf32> -> vector<128x128xf32>
      %broadcast_in_dim3A_275 = vector.shape_cast %get3A_258 : vector<1x128xf32> to vector<1x128xf32>
      %broadcast_in_dim3A_276 = vector.broadcast %broadcast_in_dim3A_275 : vector<1x128xf32> to vector<128x128xf32>
      %transpose3A_277 = tpu.transpose %broadcast_in_dim3A_276, [1, 0] : vector<128x128xf32> -> vector<128x128xf32>
      %broadcast_in_dim3A_278 = vector.shape_cast %get3A_264 : vector<1x128xf32> to vector<1x128xf32>
      %broadcast_in_dim3A_279 = vector.broadcast %broadcast_in_dim3A_278 : vector<1x128xf32> to vector<128x128xf32>
      %transpose3A_280 = tpu.transpose %broadcast_in_dim3A_279, [1, 0] : vector<128x128xf32> -> vector<128x128xf32>
      %broadcast_in_dim3A_281 = vector.shape_cast %get3A_269 : vector<1x128xf32> to vector<1x128xf32>
      %broadcast_in_dim3A_282 = vector.broadcast %broadcast_in_dim3A_281 : vector<1x128xf32> to vector<128x128xf32>
      %transpose3A_283 = tpu.transpose %broadcast_in_dim3A_282, [1, 0] : vector<128x128xf32> -> vector<128x128xf32>
      %max3A_284 = vector.broadcast %get3A_246 : vector<1x128xf32> to vector<128x128xf32>
      %max3A_285 = arith.maximumf %transpose3A, %max3A_284 : vector<128x128xf32>
      %max3A_286 = vector.broadcast %get3A_252 : vector<1x128xf32> to vector<128x128xf32>
      %max3A_287 = arith.maximumf %transpose3A_274, %max3A_286 : vector<128x128xf32>
      %min3A = vector.broadcast %get3A_258 : vector<1x128xf32> to vector<128x128xf32>
      %min3A_288 = arith.minimumf %transpose3A_277, %min3A : vector<128x128xf32>
      %min3A_289 = vector.broadcast %get3A_264 : vector<1x128xf32> to vector<128x128xf32>
      %min3A_290 = arith.minimumf %transpose3A_280, %min3A_289 : vector<128x128xf32>
      %sub3A_291 = arith.subf %min3A_288, %max3A_285 : vector<128x128xf32>
      %max3A_292 = arith.constant 0.000000e+00 : f32
      %max3A_293 = vector.broadcast %max3A_292 : f32 to vector<128x128xf32>
      %max3A_294 = arith.maximumf %sub3A_291, %max3A_293 : vector<128x128xf32>
      %sub3A_295 = arith.subf %min3A_290, %max3A_287 : vector<128x128xf32>
      %max3A_296 = arith.constant 0.000000e+00 : f32
      %max3A_297 = vector.broadcast %max3A_296 : f32 to vector<128x128xf32>
      %max3A_298 = arith.maximumf %sub3A_295, %max3A_297 : vector<128x128xf32>
      %mul3A_299 = arith.mulf %max3A_294, %max3A_298 : vector<128x128xf32>
      %add3A = vector.broadcast %get3A_269 : vector<1x128xf32> to vector<128x128xf32>
      %add3A_300 = arith.addf %transpose3A_283, %add3A : vector<128x128xf32>
      %sub3A_301 = arith.subf %add3A_300, %mul3A_299 : vector<128x128xf32>
      %add3A_302 = arith.constant 9.99999971E-10 : f32
      %add3A_303 = vector.broadcast %add3A_302 : f32 to vector<128x128xf32>
      %add3A_304 = arith.addf %sub3A_301, %add3A_303 : vector<128x128xf32>
      %div3A_305 = arith.divf %mul3A_299, %add3A_304 : vector<128x128xf32>
      %gt3A_306 = arith.constant 6.000000e-01 : f32
      %gt3A_307 = vector.broadcast %gt3A_306 : f32 to vector<128x128xf32>
      %gt3A_308 = arith.cmpf ogt, %div3A_305, %gt3A_307 : vector<128x128xf32>
      %and3A_309 = arith.andi %gt3A_308, %lt3A : vector<128x128xi1>
      %jit3A_310 = arith.constant 1.000000e+00 : f32
      %jit3A_311 = arith.constant 0.000000e+00 : f32
      %broadcast_in_dim3A_312 = vector.broadcast %jit3A_310 : f32 to vector<128x128xf32>
      %broadcast_in_dim3A_313 = vector.broadcast %jit3A_311 : f32 to vector<128x128xf32>
      %select_n3A_314 = arith.select %and3A_309, %broadcast_in_dim3A_312, %broadcast_in_dim3A_313 : vector<128x128xi1>, vector<128x128xf32>
      %get3A_315 = arith.index_cast %scan3A_240 : i32 to index
      %get3A_316 = arith.constant 0 : index
      %get3A_317 = arith.constant 0 : index
      %get3A_318 = vector.load %arg2[%get3A_315, %get3A_316, %get3A_317] : memref<40x1x128xf32, #tpu.memory_space<vmem>>, vector<1x1x128xf32>
      %get3A_319 = vector.shape_cast %get3A_318 : vector<1x1x128xf32> to vector<1x128xf32>
      %broadcast_in_dim3A_320 = vector.shape_cast %get3A_319 : vector<1x128xf32> to vector<1x128xf32>
      %broadcast_in_dim3A_321 = vector.broadcast %broadcast_in_dim3A_320 : vector<1x128xf32> to vector<128x128xf32>
      %transpose3A_322 = tpu.transpose %broadcast_in_dim3A_321, [1, 0] : vector<128x128xf32> -> vector<128x128xf32>
      %while3A = arith.constant true
      %while3A_323:3 = scf.while (%while3A_342 = %get3A_319, %while3A_343 = %transpose3A_322, %while3A_344 = %while3A) : (vector<1x128xf32>, vector<128x128xf32>, i1) -> (vector<1x128xf32>, vector<128x128xf32>, i1) {
        scf.condition(%while3A_344) %while3A_342, %while3A_343, %while3A_344 : vector<1x128xf32>, vector<128x128xf32>, i1
      } do {
      ^bb0(%while3A_342: vector<1x128xf32>, %while3A_343: vector<128x128xf32>, %while3A_344: i1):
        %mul3A_345 = arith.mulf %select_n3A_314, %while3A_343 : vector<128x128xf32>
        %reduce_max3A = arith.constant dense<0xFF800000> : vector<128xf32>
        %reduce_max3A_346 = vector.multi_reduction <maximumf>, %mul3A_345, %reduce_max3A [0] : vector<128x128xf32> to vector<128xf32>
        %broadcast_in_dim3A_347 = vector.shape_cast %reduce_max3A_346 : vector<128xf32> to vector<1x128xf32>
        %gt3A_348 = arith.constant 0.000000e+00 : f32
        %gt3A_349 = vector.broadcast %gt3A_348 : f32 to vector<1x128xf32>
        %gt3A_350 = arith.cmpf ogt, %broadcast_in_dim3A_347, %gt3A_349 : vector<1x128xf32>
        %jit3A_351 = arith.constant 0.000000e+00 : f32
        %broadcast_in_dim3A_352 = vector.broadcast %jit3A_351 : f32 to vector<1x128xf32>
        %select_n3A_353 = arith.select %gt3A_350, %broadcast_in_dim3A_352, %get3A_319 : vector<1x128xi1>, vector<1x128xf32>
        %ne3A = arith.cmpf one, %select_n3A_353, %while3A_342 : vector<1x128xf32>
        %reduce_or3A = arith.constant 1.000000e+00 : f32
        %reduce_or3A_354 = arith.constant 0.000000e+00 : f32
        %reduce_or3A_355 = vector.broadcast %reduce_or3A : f32 to vector<1x128xf32>
        %reduce_or3A_356 = vector.broadcast %reduce_or3A_354 : f32 to vector<1x128xf32>
        %reduce_or3A_357 = arith.select %ne3A, %reduce_or3A_355, %reduce_or3A_356 : vector<1x128xi1>, vector<1x128xf32>
        %reduce_or3A_358 = vector.shape_cast %reduce_or3A_357 : vector<1x128xf32> to vector<1x1x128xf32>
        %reduce_or3A_359 = arith.constant dense<0xFF800000> : vector<1xf32>
        %reduce_or3A_360 = vector.multi_reduction <maximumf>, %reduce_or3A_358, %reduce_or3A_359 [1, 2] : vector<1x1x128xf32> to vector<1xf32>
        %reduce_or3A_361 = vector.shape_cast %reduce_or3A_360 : vector<1xf32> to vector<1x1x1xf32>
        %reduce_or3A_362 = vector.extract %reduce_or3A_361[0, 0, 0] : f32 from vector<1x1x1xf32>
        %reduce_or3A_363 = arith.constant 0.000000e+00 : f32
        %reduce_or3A_364 = arith.cmpf ogt, %reduce_or3A_362, %reduce_or3A_363 : f32
        %broadcast_in_dim3A_365 = vector.shape_cast %select_n3A_353 : vector<1x128xf32> to vector<1x128xf32>
        %broadcast_in_dim3A_366 = vector.broadcast %broadcast_in_dim3A_365 : vector<1x128xf32> to vector<128x128xf32>
        %transpose3A_367 = tpu.transpose %broadcast_in_dim3A_366, [1, 0] : vector<128x128xf32> -> vector<128x128xf32>
        scf.yield %select_n3A_353, %transpose3A_367, %reduce_or3A_364 : vector<1x128xf32>, vector<128x128xf32>, i1
      }
      %swap3A_324 = arith.index_cast %scan3A_240 : i32 to index
      %swap3A_325 = arith.constant 0 : index
      %swap3A_326 = arith.constant 0 : index
      %swap3A_327 = vector.load %arg2[%swap3A_324, %swap3A_325, %swap3A_326] : memref<40x1x128xf32, #tpu.memory_space<vmem>>, vector<1x1x128xf32>
      %swap3A_328 = vector.shape_cast %swap3A_327 : vector<1x1x128xf32> to vector<1x128xf32>
      %swap3A_329 = vector.shape_cast %while3A_323#0 : vector<1x128xf32> to vector<1x1x128xf32>
      tpu.vector_store %arg2[%swap3A_324, %swap3A_325, %swap3A_326], %swap3A_329 {strides = array<i32>} : memref<40x1x128xf32, #tpu.memory_space<vmem>>, vector<1x1x128xf32>,
      %add3A_330 = arith.constant 1 : i32
      %add3A_331 = arith.addi %scan3A_240, %add3A_330 : i32
      %while3A_332 = arith.constant 0 : i32
      %while3A_333 = arith.constant 40 : i32
      %while3A_334 = arith.subi %while3A_333, %add3A_331 : i32
      %while3A_335 = arith.addi %add3A_331, %while3A_334 : i32
      %while3A_336 = arith.constant 1 : i32
      %while3A_337 = arith.divsi %while3A_334, %while3A_336 : i32
      %while3A_338 = arith.muli %while3A_337, %while3A_336 : i32
      %while3A_339 = arith.addi %add3A_331, %while3A_338 : i32
      %while3A_340 = arith.constant 1 : i32
      scf.for %while3A_342 = %add3A_331 to %while3A_339 step %while3A_340  : i32 {
        %get3A_343 = arith.constant 1 : index
        %get3A_344 = arith.index_cast %while3A_342 : i32 to index
        %get3A_345 = arith.constant 0 : index
        %get3A_346 = arith.constant 0 : index
        %get3A_347 = vector.load %arg0[%get3A_343, %get3A_344, %get3A_345, %get3A_346] : memref<9x40x1x128xf32, #tpu.memory_space<vmem>>, vector<1x1x1x128xf32>
        %get3A_348 = vector.shape_cast %get3A_347 : vector<1x1x1x128xf32> to vector<1x128xf32>
        %get3A_349 = arith.constant 2 : index
        %get3A_350 = arith.index_cast %while3A_342 : i32 to index
        %get3A_351 = arith.constant 0 : index
        %get3A_352 = arith.constant 0 : index
        %get3A_353 = vector.load %arg0[%get3A_349, %get3A_350, %get3A_351, %get3A_352] : memref<9x40x1x128xf32, #tpu.memory_space<vmem>>, vector<1x1x1x128xf32>
        %get3A_354 = vector.shape_cast %get3A_353 : vector<1x1x1x128xf32> to vector<1x128xf32>
        %get3A_355 = arith.constant 3 : index
        %get3A_356 = arith.index_cast %while3A_342 : i32 to index
        %get3A_357 = arith.constant 0 : index
        %get3A_358 = arith.constant 0 : index
        %get3A_359 = vector.load %arg0[%get3A_355, %get3A_356, %get3A_357, %get3A_358] : memref<9x40x1x128xf32, #tpu.memory_space<vmem>>, vector<1x1x1x128xf32>
        %get3A_360 = vector.shape_cast %get3A_359 : vector<1x1x1x128xf32> to vector<1x128xf32>
        %get3A_361 = arith.constant 4 : index
        %get3A_362 = arith.index_cast %while3A_342 : i32 to index
        %get3A_363 = arith.constant 0 : index
        %get3A_364 = arith.constant 0 : index
        %get3A_365 = vector.load %arg0[%get3A_361, %get3A_362, %get3A_363, %get3A_364] : memref<9x40x1x128xf32, #tpu.memory_space<vmem>>, vector<1x1x1x128xf32>
        %get3A_366 = vector.shape_cast %get3A_365 : vector<1x1x1x128xf32> to vector<1x128xf32>
        %get3A_367 = arith.index_cast %while3A_342 : i32 to index
        %get3A_368 = arith.constant 0 : index
        %get3A_369 = arith.constant 0 : index
        %get3A_370 = vector.load %arg3[%get3A_367, %get3A_368, %get3A_369] : memref<40x1x128xf32, #tpu.memory_space<vmem>>, vector<1x1x128xf32>
        %get3A_371 = vector.shape_cast %get3A_370 : vector<1x1x128xf32> to vector<1x128xf32>
        %max3A_372 = vector.broadcast %get3A_348 : vector<1x128xf32> to vector<128x128xf32>
        %max3A_373 = arith.maximumf %transpose3A, %max3A_372 : vector<128x128xf32>
        %max3A_374 = vector.broadcast %get3A_354 : vector<1x128xf32> to vector<128x128xf32>
        %max3A_375 = arith.maximumf %transpose3A_274, %max3A_374 : vector<128x128xf32>
        %min3A_376 = vector.broadcast %get3A_360 : vector<1x128xf32> to vector<128x128xf32>
        %min3A_377 = arith.minimumf %transpose3A_277, %min3A_376 : vector<128x128xf32>
        %min3A_378 = vector.broadcast %get3A_366 : vector<1x128xf32> to vector<128x128xf32>
        %min3A_379 = arith.minimumf %transpose3A_280, %min3A_378 : vector<128x128xf32>
        %sub3A_380 = arith.subf %min3A_377, %max3A_373 : vector<128x128xf32>
        %max3A_381 = arith.constant 0.000000e+00 : f32
        %max3A_382 = vector.broadcast %max3A_381 : f32 to vector<128x128xf32>
        %max3A_383 = arith.maximumf %sub3A_380, %max3A_382 : vector<128x128xf32>
        %sub3A_384 = arith.subf %min3A_379, %max3A_375 : vector<128x128xf32>
        %max3A_385 = arith.constant 0.000000e+00 : f32
        %max3A_386 = vector.broadcast %max3A_385 : f32 to vector<128x128xf32>
        %max3A_387 = arith.maximumf %sub3A_384, %max3A_386 : vector<128x128xf32>
        %mul3A_388 = arith.mulf %max3A_383, %max3A_387 : vector<128x128xf32>
        %add3A_389 = vector.broadcast %get3A_371 : vector<1x128xf32> to vector<128x128xf32>
        %add3A_390 = arith.addf %transpose3A_283, %add3A_389 : vector<128x128xf32>
        %sub3A_391 = arith.subf %add3A_390, %mul3A_388 : vector<128x128xf32>
        %add3A_392 = arith.constant 9.99999971E-10 : f32
        %add3A_393 = vector.broadcast %add3A_392 : f32 to vector<128x128xf32>
        %add3A_394 = arith.addf %sub3A_391, %add3A_393 : vector<128x128xf32>
        %div3A_395 = arith.divf %mul3A_388, %add3A_394 : vector<128x128xf32>
        %gt3A_396 = arith.constant 6.000000e-01 : f32
        %gt3A_397 = vector.broadcast %gt3A_396 : f32 to vector<128x128xf32>
        %gt3A_398 = arith.cmpf ogt, %div3A_395, %gt3A_397 : vector<128x128xf32>
        %jit3A_399 = arith.constant 0.000000e+00 : f32
        %broadcast_in_dim3A_400 = vector.broadcast %jit3A_399 : f32 to vector<128x128xf32>
        %select_n3A_401 = arith.select %gt3A_398, %while3A_323#1, %broadcast_in_dim3A_400 : vector<128x128xi1>, vector<128x128xf32>
        %reduce_max3A = arith.constant dense<0xFF800000> : vector<128xf32>
        %reduce_max3A_402 = vector.multi_reduction <maximumf>, %select_n3A_401, %reduce_max3A [0] : vector<128x128xf32> to vector<128xf32>
        %broadcast_in_dim3A_403 = vector.shape_cast %reduce_max3A_402 : vector<128xf32> to vector<1x128xf32>
        %gt3A_404 = arith.constant 0.000000e+00 : f32
        %gt3A_405 = vector.broadcast %gt3A_404 : f32 to vector<1x128xf32>
        %gt3A_406 = arith.cmpf ogt, %broadcast_in_dim3A_403, %gt3A_405 : vector<1x128xf32>
        %get3A_407 = arith.index_cast %while3A_342 : i32 to index
        %get3A_408 = arith.constant 0 : index
        %get3A_409 = arith.constant 0 : index
        %get3A_410 = vector.load %arg2[%get3A_407, %get3A_408, %get3A_409] : memref<40x1x128xf32, #tpu.memory_space<vmem>>, vector<1x1x128xf32>
        %get3A_411 = vector.shape_cast %get3A_410 : vector<1x1x128xf32> to vector<1x128xf32>
        %jit3A_412 = arith.constant 0.000000e+00 : f32
        %broadcast_in_dim3A_413 = vector.broadcast %jit3A_412 : f32 to vector<1x128xf32>
        %select_n3A_414 = arith.select %gt3A_406, %broadcast_in_dim3A_413, %get3A_411 : vector<1x128xi1>, vector<1x128xf32>
        %swap3A_415 = arith.index_cast %while3A_342 : i32 to index
        %swap3A_416 = arith.constant 0 : index
        %swap3A_417 = arith.constant 0 : index
        %swap3A_418 = vector.load %arg2[%swap3A_415, %swap3A_416, %swap3A_417] : memref<40x1x128xf32, #tpu.memory_space<vmem>>, vector<1x1x128xf32>
        %swap3A_419 = vector.shape_cast %swap3A_418 : vector<1x1x128xf32> to vector<1x128xf32>
        %swap3A_420 = vector.shape_cast %select_n3A_414 : vector<1x128xf32> to vector<1x1x128xf32>
        tpu.vector_store %arg2[%swap3A_415, %swap3A_416, %swap3A_417], %swap3A_420 {strides = array<i32>} : memref<40x1x128xf32, #tpu.memory_space<vmem>>, vector<1x1x128xf32>,
      }
      %while3A_341 = arith.constant 1 : i32
      scf.for %while3A_342 = %while3A_339 to %while3A_335 step %while3A_341  : i32 {
        %get3A_343 = arith.constant 1 : index
        %get3A_344 = arith.index_cast %while3A_342 : i32 to index
        %get3A_345 = arith.constant 0 : index
        %get3A_346 = arith.constant 0 : index
        %get3A_347 = vector.load %arg0[%get3A_343, %get3A_344, %get3A_345, %get3A_346] : memref<9x40x1x128xf32, #tpu.memory_space<vmem>>, vector<1x1x1x128xf32>
        %get3A_348 = vector.shape_cast %get3A_347 : vector<1x1x1x128xf32> to vector<1x128xf32>
        %get3A_349 = arith.constant 2 : index
        %get3A_350 = arith.index_cast %while3A_342 : i32 to index
        %get3A_351 = arith.constant 0 : index
        %get3A_352 = arith.constant 0 : index
        %get3A_353 = vector.load %arg0[%get3A_349, %get3A_350, %get3A_351, %get3A_352] : memref<9x40x1x128xf32, #tpu.memory_space<vmem>>, vector<1x1x1x128xf32>
        %get3A_354 = vector.shape_cast %get3A_353 : vector<1x1x1x128xf32> to vector<1x128xf32>
        %get3A_355 = arith.constant 3 : index
        %get3A_356 = arith.index_cast %while3A_342 : i32 to index
        %get3A_357 = arith.constant 0 : index
        %get3A_358 = arith.constant 0 : index
        %get3A_359 = vector.load %arg0[%get3A_355, %get3A_356, %get3A_357, %get3A_358] : memref<9x40x1x128xf32, #tpu.memory_space<vmem>>, vector<1x1x1x128xf32>
        %get3A_360 = vector.shape_cast %get3A_359 : vector<1x1x1x128xf32> to vector<1x128xf32>
        %get3A_361 = arith.constant 4 : index
        %get3A_362 = arith.index_cast %while3A_342 : i32 to index
        %get3A_363 = arith.constant 0 : index
        %get3A_364 = arith.constant 0 : index
        %get3A_365 = vector.load %arg0[%get3A_361, %get3A_362, %get3A_363, %get3A_364] : memref<9x40x1x128xf32, #tpu.memory_space<vmem>>, vector<1x1x1x128xf32>
        %get3A_366 = vector.shape_cast %get3A_365 : vector<1x1x1x128xf32> to vector<1x128xf32>
        %get3A_367 = arith.index_cast %while3A_342 : i32 to index
        %get3A_368 = arith.constant 0 : index
        %get3A_369 = arith.constant 0 : index
        %get3A_370 = vector.load %arg3[%get3A_367, %get3A_368, %get3A_369] : memref<40x1x128xf32, #tpu.memory_space<vmem>>, vector<1x1x128xf32>
        %get3A_371 = vector.shape_cast %get3A_370 : vector<1x1x128xf32> to vector<1x128xf32>
        %max3A_372 = vector.broadcast %get3A_348 : vector<1x128xf32> to vector<128x128xf32>
        %max3A_373 = arith.maximumf %transpose3A, %max3A_372 : vector<128x128xf32>
        %max3A_374 = vector.broadcast %get3A_354 : vector<1x128xf32> to vector<128x128xf32>
        %max3A_375 = arith.maximumf %transpose3A_274, %max3A_374 : vector<128x128xf32>
        %min3A_376 = vector.broadcast %get3A_360 : vector<1x128xf32> to vector<128x128xf32>
        %min3A_377 = arith.minimumf %transpose3A_277, %min3A_376 : vector<128x128xf32>
        %min3A_378 = vector.broadcast %get3A_366 : vector<1x128xf32> to vector<128x128xf32>
        %min3A_379 = arith.minimumf %transpose3A_280, %min3A_378 : vector<128x128xf32>
        %sub3A_380 = arith.subf %min3A_377, %max3A_373 : vector<128x128xf32>
        %max3A_381 = arith.constant 0.000000e+00 : f32
        %max3A_382 = vector.broadcast %max3A_381 : f32 to vector<128x128xf32>
        %max3A_383 = arith.maximumf %sub3A_380, %max3A_382 : vector<128x128xf32>
        %sub3A_384 = arith.subf %min3A_379, %max3A_375 : vector<128x128xf32>
        %max3A_385 = arith.constant 0.000000e+00 : f32
        %max3A_386 = vector.broadcast %max3A_385 : f32 to vector<128x128xf32>
        %max3A_387 = arith.maximumf %sub3A_384, %max3A_386 : vector<128x128xf32>
        %mul3A_388 = arith.mulf %max3A_383, %max3A_387 : vector<128x128xf32>
        %add3A_389 = vector.broadcast %get3A_371 : vector<1x128xf32> to vector<128x128xf32>
        %add3A_390 = arith.addf %transpose3A_283, %add3A_389 : vector<128x128xf32>
        %sub3A_391 = arith.subf %add3A_390, %mul3A_388 : vector<128x128xf32>
        %add3A_392 = arith.constant 9.99999971E-10 : f32
        %add3A_393 = vector.broadcast %add3A_392 : f32 to vector<128x128xf32>
        %add3A_394 = arith.addf %sub3A_391, %add3A_393 : vector<128x128xf32>
        %div3A_395 = arith.divf %mul3A_388, %add3A_394 : vector<128x128xf32>
        %gt3A_396 = arith.constant 6.000000e-01 : f32
        %gt3A_397 = vector.broadcast %gt3A_396 : f32 to vector<128x128xf32>
        %gt3A_398 = arith.cmpf ogt, %div3A_395, %gt3A_397 : vector<128x128xf32>
        %jit3A_399 = arith.constant 0.000000e+00 : f32
        %broadcast_in_dim3A_400 = vector.broadcast %jit3A_399 : f32 to vector<128x128xf32>
        %select_n3A_401 = arith.select %gt3A_398, %while3A_323#1, %broadcast_in_dim3A_400 : vector<128x128xi1>, vector<128x128xf32>
        %reduce_max3A = arith.constant dense<0xFF800000> : vector<128xf32>
        %reduce_max3A_402 = vector.multi_reduction <maximumf>, %select_n3A_401, %reduce_max3A [0] : vector<128x128xf32> to vector<128xf32>
        %broadcast_in_dim3A_403 = vector.shape_cast %reduce_max3A_402 : vector<128xf32> to vector<1x128xf32>
        %gt3A_404 = arith.constant 0.000000e+00 : f32
        %gt3A_405 = vector.broadcast %gt3A_404 : f32 to vector<1x128xf32>
        %gt3A_406 = arith.cmpf ogt, %broadcast_in_dim3A_403, %gt3A_405 : vector<1x128xf32>
        %get3A_407 = arith.index_cast %while3A_342 : i32 to index
        %get3A_408 = arith.constant 0 : index
        %get3A_409 = arith.constant 0 : index
        %get3A_410 = vector.load %arg2[%get3A_407, %get3A_408, %get3A_409] : memref<40x1x128xf32, #tpu.memory_space<vmem>>, vector<1x1x128xf32>
        %get3A_411 = vector.shape_cast %get3A_410 : vector<1x1x128xf32> to vector<1x128xf32>
        %jit3A_412 = arith.constant 0.000000e+00 : f32
        %broadcast_in_dim3A_413 = vector.broadcast %jit3A_412 : f32 to vector<1x128xf32>
        %select_n3A_414 = arith.select %gt3A_406, %broadcast_in_dim3A_413, %get3A_411 : vector<1x128xi1>, vector<1x128xf32>
        %swap3A_415 = arith.index_cast %while3A_342 : i32 to index
        %swap3A_416 = arith.constant 0 : index
        %swap3A_417 = arith.constant 0 : index
        %swap3A_418 = vector.load %arg2[%swap3A_415, %swap3A_416, %swap3A_417] : memref<40x1x128xf32, #tpu.memory_space<vmem>>, vector<1x1x128xf32>
        %swap3A_419 = vector.shape_cast %swap3A_418 : vector<1x1x128xf32> to vector<1x128xf32>
        %swap3A_420 = vector.shape_cast %select_n3A_414 : vector<1x128xf32> to vector<1x1x128xf32>
        tpu.vector_store %arg2[%swap3A_415, %swap3A_416, %swap3A_417], %swap3A_420 {strides = array<i32>} : memref<40x1x128xf32, #tpu.memory_space<vmem>>, vector<1x1x128xf32>,
      }
    }
    %scan3A_41 = arith.constant 40 : i32
    %get3A_42 = arith.constant 0 : index
    %get3A_43 = arith.constant 0 : index
    %get3A_44 = arith.constant 0 : index
    %get3A_45 = vector.load %arg2[%get3A_42, %get3A_43, %get3A_44] : memref<40x1x128xf32, #tpu.memory_space<vmem>>, vector<40x1x128xf32>
    %gt3A = arith.constant 0.000000e+00 : f32
    %gt3A_46 = vector.broadcast %gt3A : f32 to vector<40x1x128xf32>
    %gt3A_47 = arith.cmpf ogt, %get3A_45, %gt3A_46 : vector<40x1x128xf32>
    %sub3A_48 = arith.subf %get3A_17, %get3A_5 : vector<40x1x128xf32>
    %sub3A_49 = arith.subf %get3A_23, %get3A_11 : vector<40x1x128xf32>
    %gt3A_50 = arith.constant 0.000000e+00 : f32
    %gt3A_51 = vector.broadcast %gt3A_50 : f32 to vector<40x1x128xf32>
    %gt3A_52 = arith.cmpf ogt, %sub3A_48, %gt3A_51 : vector<40x1x128xf32>
    %max3A_53 = arith.constant 9.99999971E-10 : f32
    %max3A_54 = vector.broadcast %max3A_53 : f32 to vector<40x1x128xf32>
    %max3A_55 = arith.maximumf %sub3A_48, %max3A_54 : vector<40x1x128xf32>
    %div3A = arith.divf %sub3A_49, %max3A_55 : vector<40x1x128xf32>
    %jit3A = arith.constant 0.000000e+00 : f32
    %broadcast_in_dim3A_56 = vector.broadcast %jit3A : f32 to vector<40x1x128xf32>
    %select_n3A = arith.select %gt3A_52, %div3A, %broadcast_in_dim3A_56 : vector<40x1x128xi1>, vector<40x1x128xf32>
    %ge3A = arith.constant 5.000000e+00 : f32
    %ge3A_57 = vector.broadcast %ge3A : f32 to vector<40x1x128xf32>
    %ge3A_58 = arith.cmpf oge, %sub3A_48, %ge3A_57 : vector<40x1x128xf32>
    %ge3A_59 = arith.constant 5.000000e+00 : f32
    %ge3A_60 = vector.broadcast %ge3A_59 : f32 to vector<40x1x128xf32>
    %ge3A_61 = arith.cmpf oge, %sub3A_49, %ge3A_60 : vector<40x1x128xf32>
    %and3A = arith.andi %ge3A_58, %ge3A_61 : vector<40x1x128xi1>
    %le3A = arith.constant 3.000000e+02 : f32
    %le3A_62 = vector.broadcast %le3A : f32 to vector<40x1x128xf32>
    %le3A_63 = arith.cmpf ole, %sub3A_48, %le3A_62 : vector<40x1x128xf32>
    %and3A_64 = arith.andi %and3A, %le3A_63 : vector<40x1x128xi1>
    %le3A_65 = arith.constant 3.000000e+02 : f32
    %le3A_66 = vector.broadcast %le3A_65 : f32 to vector<40x1x128xf32>
    %le3A_67 = arith.cmpf ole, %sub3A_49, %le3A_66 : vector<40x1x128xf32>
    %and3A_68 = arith.andi %and3A_64, %le3A_67 : vector<40x1x128xi1>
    %ge3A_69 = arith.constant 5.000000e-01 : f32
    %ge3A_70 = vector.broadcast %ge3A_69 : f32 to vector<40x1x128xf32>
    %ge3A_71 = arith.cmpf oge, %select_n3A, %ge3A_70 : vector<40x1x128xf32>
    %and3A_72 = arith.andi %and3A_68, %ge3A_71 : vector<40x1x128xi1>
    %le3A_73 = arith.constant 8.000000e+00 : f32
    %le3A_74 = vector.broadcast %le3A_73 : f32 to vector<40x1x128xf32>
    %le3A_75 = arith.cmpf ole, %select_n3A, %le3A_74 : vector<40x1x128xf32>
    %and3A_76 = arith.andi %and3A_72, %le3A_75 : vector<40x1x128xi1>
    %get3A_77 = arith.constant 5 : index
    %get3A_78 = arith.constant 0 : index
    %get3A_79 = arith.constant 0 : index
    %get3A_80 = arith.constant 0 : index
    %get3A_81 = vector.load %arg0[%get3A_77, %get3A_78, %get3A_79, %get3A_80] : memref<9x40x1x128xf32, #tpu.memory_space<vmem>>, vector<1x40x1x128xf32>
    %get3A_82 = vector.shape_cast %get3A_81 : vector<1x40x1x128xf32> to vector<40x1x128xf32>
    %get3A_83 = arith.constant 6 : index
    %get3A_84 = arith.constant 0 : index
    %get3A_85 = arith.constant 0 : index
    %get3A_86 = arith.constant 0 : index
    %get3A_87 = vector.load %arg0[%get3A_83, %get3A_84, %get3A_85, %get3A_86] : memref<9x40x1x128xf32, #tpu.memory_space<vmem>>, vector<1x40x1x128xf32>
    %get3A_88 = vector.shape_cast %get3A_87 : vector<1x40x1x128xf32> to vector<40x1x128xf32>
    %get3A_89 = arith.constant 7 : index
    %get3A_90 = arith.constant 0 : index
    %get3A_91 = arith.constant 0 : index
    %get3A_92 = arith.constant 0 : index
    %get3A_93 = vector.load %arg0[%get3A_89, %get3A_90, %get3A_91, %get3A_92] : memref<9x40x1x128xf32, #tpu.memory_space<vmem>>, vector<1x40x1x128xf32>
    %get3A_94 = vector.shape_cast %get3A_93 : vector<1x40x1x128xf32> to vector<40x1x128xf32>
    %get3A_95 = arith.constant 8 : index
    %get3A_96 = arith.constant 0 : index
    %get3A_97 = arith.constant 0 : index
    %get3A_98 = arith.constant 0 : index
    %get3A_99 = vector.load %arg0[%get3A_95, %get3A_96, %get3A_97, %get3A_98] : memref<9x40x1x128xf32, #tpu.memory_space<vmem>>, vector<1x40x1x128xf32>
    %get3A_100 = vector.shape_cast %get3A_99 : vector<1x40x1x128xf32> to vector<40x1x128xf32>
    %max3A_101 = arith.maximumf %get3A_82, %get3A_88 : vector<40x1x128xf32>
    %max3A_102 = arith.maximumf %get3A_94, %get3A_100 : vector<40x1x128xf32>
    %max3A_103 = arith.maximumf %max3A_101, %max3A_102 : vector<40x1x128xf32>
    %ge3A_104 = arith.constant 3.000000e-01 : f32
    %ge3A_105 = vector.broadcast %ge3A_104 : f32 to vector<40x1x128xf32>
    %ge3A_106 = arith.cmpf oge, %max3A_103, %ge3A_105 : vector<40x1x128xf32>
    %max3A_107 = arith.maximumf %get3A_88, %get3A_94 : vector<40x1x128xf32>
    %max3A_108 = arith.maximumf %max3A_107, %get3A_100 : vector<40x1x128xf32>
    %gt3A_109 = arith.cmpf ogt, %max3A_108, %get3A_82 : vector<40x1x128xf32>
    %and3A_110 = arith.andi %gt3A_47, %and3A_76 : vector<40x1x128xi1>
    %and3A_111 = arith.andi %and3A_110, %ge3A_106 : vector<40x1x128xi1>
    %and3A_112 = arith.andi %and3A_111, %gt3A_109 : vector<40x1x128xi1>
    %convert_element_type3A = arith.extui %and3A_112 : vector<40x1x128xi1> to vector<40x1x128xi32>
    %convert_element_type3A_113 = arith.sitofp %convert_element_type3A : vector<40x1x128xi32> to vector<40x1x128xf32>
    %get3A_114 = arith.constant 0 : index
    %get3A_115 = arith.constant 0 : index
    %get3A_116 = arith.constant 0 : index
    %get3A_117 = arith.constant 0 : index
    %get3A_118 = vector.load %arg0[%get3A_114, %get3A_115, %get3A_116, %get3A_117] : memref<9x40x1x128xf32, #tpu.memory_space<vmem>>, vector<1x40x1x128xf32>
    %get3A_119 = vector.shape_cast %get3A_118 : vector<1x40x1x128xf32> to vector<40x1x128xf32>
    %mul3A_120 = arith.mulf %get3A_119, %convert_element_type3A_113 : vector<40x1x128xf32>
    %swap3A_121 = arith.constant 0 : index
    %swap3A_122 = arith.constant 0 : index
    %swap3A_123 = arith.constant 0 : index
    %swap3A_124 = arith.constant 0 : index
    %swap3A_125 = vector.load %arg1[%swap3A_121, %swap3A_122, %swap3A_123, %swap3A_124] : memref<9x40x1x128xf32, #tpu.memory_space<vmem>>, vector<1x40x1x128xf32>
    %swap3A_126 = vector.shape_cast %swap3A_125 : vector<1x40x1x128xf32> to vector<40x1x128xf32>
    %swap3A_127 = vector.shape_cast %mul3A_120 : vector<40x1x128xf32> to vector<1x40x1x128xf32>
    tpu.vector_store %arg1[%swap3A_121, %swap3A_122, %swap3A_123, %swap3A_124], %swap3A_127 {strides = array<i32>} : memref<9x40x1x128xf32, #tpu.memory_space<vmem>>, vector<1x40x1x128xf32>,
    %get3A_128 = arith.constant 1 : index
    %get3A_129 = arith.constant 0 : index
    %get3A_130 = arith.constant 0 : index
    %get3A_131 = arith.constant 0 : index
    %get3A_132 = vector.load %arg0[%get3A_128, %get3A_129, %get3A_130, %get3A_131] : memref<9x40x1x128xf32, #tpu.memory_space<vmem>>, vector<1x40x1x128xf32>
    %get3A_133 = vector.shape_cast %get3A_132 : vector<1x40x1x128xf32> to vector<40x1x128xf32>
    %mul3A_134 = arith.mulf %get3A_133, %convert_element_type3A_113 : vector<40x1x128xf32>
    %swap3A_135 = arith.constant 1 : index
    %swap3A_136 = arith.constant 0 : index
    %swap3A_137 = arith.constant 0 : index
    %swap3A_138 = arith.constant 0 : index
    %swap3A_139 = vector.load %arg1[%swap3A_135, %swap3A_136, %swap3A_137, %swap3A_138] : memref<9x40x1x128xf32, #tpu.memory_space<vmem>>, vector<1x40x1x128xf32>
    %swap3A_140 = vector.shape_cast %swap3A_139 : vector<1x40x1x128xf32> to vector<40x1x128xf32>
    %swap3A_141 = vector.shape_cast %mul3A_134 : vector<40x1x128xf32> to vector<1x40x1x128xf32>
    tpu.vector_store %arg1[%swap3A_135, %swap3A_136, %swap3A_137, %swap3A_138], %swap3A_141 {strides = array<i32>} : memref<9x40x1x128xf32, #tpu.memory_space<vmem>>, vector<1x40x1x128xf32>,
    %get3A_142 = arith.constant 2 : index
    %get3A_143 = arith.constant 0 : index
    %get3A_144 = arith.constant 0 : index
    %get3A_145 = arith.constant 0 : index
    %get3A_146 = vector.load %arg0[%get3A_142, %get3A_143, %get3A_144, %get3A_145] : memref<9x40x1x128xf32, #tpu.memory_space<vmem>>, vector<1x40x1x128xf32>
    %get3A_147 = vector.shape_cast %get3A_146 : vector<1x40x1x128xf32> to vector<40x1x128xf32>
    %mul3A_148 = arith.mulf %get3A_147, %convert_element_type3A_113 : vector<40x1x128xf32>
    %swap3A_149 = arith.constant 2 : index
    %swap3A_150 = arith.constant 0 : index
    %swap3A_151 = arith.constant 0 : index
    %swap3A_152 = arith.constant 0 : index
    %swap3A_153 = vector.load %arg1[%swap3A_149, %swap3A_150, %swap3A_151, %swap3A_152] : memref<9x40x1x128xf32, #tpu.memory_space<vmem>>, vector<1x40x1x128xf32>
    %swap3A_154 = vector.shape_cast %swap3A_153 : vector<1x40x1x128xf32> to vector<40x1x128xf32>
    %swap3A_155 = vector.shape_cast %mul3A_148 : vector<40x1x128xf32> to vector<1x40x1x128xf32>
    tpu.vector_store %arg1[%swap3A_149, %swap3A_150, %swap3A_151, %swap3A_152], %swap3A_155 {strides = array<i32>} : memref<9x40x1x128xf32, #tpu.memory_space<vmem>>, vector<1x40x1x128xf32>,
    %get3A_156 = arith.constant 3 : index
    %get3A_157 = arith.constant 0 : index
    %get3A_158 = arith.constant 0 : index
    %get3A_159 = arith.constant 0 : index
    %get3A_160 = vector.load %arg0[%get3A_156, %get3A_157, %get3A_158, %get3A_159] : memref<9x40x1x128xf32, #tpu.memory_space<vmem>>, vector<1x40x1x128xf32>
    %get3A_161 = vector.shape_cast %get3A_160 : vector<1x40x1x128xf32> to vector<40x1x128xf32>
    %mul3A_162 = arith.mulf %get3A_161, %convert_element_type3A_113 : vector<40x1x128xf32>
    %swap3A_163 = arith.constant 3 : index
    %swap3A_164 = arith.constant 0 : index
    %swap3A_165 = arith.constant 0 : index
    %swap3A_166 = arith.constant 0 : index
    %swap3A_167 = vector.load %arg1[%swap3A_163, %swap3A_164, %swap3A_165, %swap3A_166] : memref<9x40x1x128xf32, #tpu.memory_space<vmem>>, vector<1x40x1x128xf32>
    %swap3A_168 = vector.shape_cast %swap3A_167 : vector<1x40x1x128xf32> to vector<40x1x128xf32>
    %swap3A_169 = vector.shape_cast %mul3A_162 : vector<40x1x128xf32> to vector<1x40x1x128xf32>
    tpu.vector_store %arg1[%swap3A_163, %swap3A_164, %swap3A_165, %swap3A_166], %swap3A_169 {strides = array<i32>} : memref<9x40x1x128xf32, #tpu.memory_space<vmem>>, vector<1x40x1x128xf32>,
    %get3A_170 = arith.constant 4 : index
    %get3A_171 = arith.constant 0 : index
    %get3A_172 = arith.constant 0 : index
    %get3A_173 = arith.constant 0 : index
    %get3A_174 = vector.load %arg0[%get3A_170, %get3A_171, %get3A_172, %get3A_173] : memref<9x40x1x128xf32, #tpu.memory_space<vmem>>, vector<1x40x1x128xf32>
    %get3A_175 = vector.shape_cast %get3A_174 : vector<1x40x1x128xf32> to vector<40x1x128xf32>
    %mul3A_176 = arith.mulf %get3A_175, %convert_element_type3A_113 : vector<40x1x128xf32>
    %swap3A_177 = arith.constant 4 : index
    %swap3A_178 = arith.constant 0 : index
    %swap3A_179 = arith.constant 0 : index
    %swap3A_180 = arith.constant 0 : index
    %swap3A_181 = vector.load %arg1[%swap3A_177, %swap3A_178, %swap3A_179, %swap3A_180] : memref<9x40x1x128xf32, #tpu.memory_space<vmem>>, vector<1x40x1x128xf32>
    %swap3A_182 = vector.shape_cast %swap3A_181 : vector<1x40x1x128xf32> to vector<40x1x128xf32>
    %swap3A_183 = vector.shape_cast %mul3A_176 : vector<40x1x128xf32> to vector<1x40x1x128xf32>
    tpu.vector_store %arg1[%swap3A_177, %swap3A_178, %swap3A_179, %swap3A_180], %swap3A_183 {strides = array<i32>} : memref<9x40x1x128xf32, #tpu.memory_space<vmem>>, vector<1x40x1x128xf32>,
    %get3A_184 = arith.constant 5 : index
    %get3A_185 = arith.constant 0 : index
    %get3A_186 = arith.constant 0 : index
    %get3A_187 = arith.constant 0 : index
    %get3A_188 = vector.load %arg0[%get3A_184, %get3A_185, %get3A_186, %get3A_187] : memref<9x40x1x128xf32, #tpu.memory_space<vmem>>, vector<1x40x1x128xf32>
    %get3A_189 = vector.shape_cast %get3A_188 : vector<1x40x1x128xf32> to vector<40x1x128xf32>
    %mul3A_190 = arith.mulf %get3A_189, %convert_element_type3A_113 : vector<40x1x128xf32>
    %swap3A_191 = arith.constant 5 : index
    %swap3A_192 = arith.constant 0 : index
    %swap3A_193 = arith.constant 0 : index
    %swap3A_194 = arith.constant 0 : index
    %swap3A_195 = vector.load %arg1[%swap3A_191, %swap3A_192, %swap3A_193, %swap3A_194] : memref<9x40x1x128xf32, #tpu.memory_space<vmem>>, vector<1x40x1x128xf32>
    %swap3A_196 = vector.shape_cast %swap3A_195 : vector<1x40x1x128xf32> to vector<40x1x128xf32>
    %swap3A_197 = vector.shape_cast %mul3A_190 : vector<40x1x128xf32> to vector<1x40x1x128xf32>
    tpu.vector_store %arg1[%swap3A_191, %swap3A_192, %swap3A_193, %swap3A_194], %swap3A_197 {strides = array<i32>} : memref<9x40x1x128xf32, #tpu.memory_space<vmem>>, vector<1x40x1x128xf32>,
    %get3A_198 = arith.constant 6 : index
    %get3A_199 = arith.constant 0 : index
    %get3A_200 = arith.constant 0 : index
    %get3A_201 = arith.constant 0 : index
    %get3A_202 = vector.load %arg0[%get3A_198, %get3A_199, %get3A_200, %get3A_201] : memref<9x40x1x128xf32, #tpu.memory_space<vmem>>, vector<1x40x1x128xf32>
    %get3A_203 = vector.shape_cast %get3A_202 : vector<1x40x1x128xf32> to vector<40x1x128xf32>
    %mul3A_204 = arith.mulf %get3A_203, %convert_element_type3A_113 : vector<40x1x128xf32>
    %swap3A_205 = arith.constant 6 : index
    %swap3A_206 = arith.constant 0 : index
    %swap3A_207 = arith.constant 0 : index
    %swap3A_208 = arith.constant 0 : index
    %swap3A_209 = vector.load %arg1[%swap3A_205, %swap3A_206, %swap3A_207, %swap3A_208] : memref<9x40x1x128xf32, #tpu.memory_space<vmem>>, vector<1x40x1x128xf32>
    %swap3A_210 = vector.shape_cast %swap3A_209 : vector<1x40x1x128xf32> to vector<40x1x128xf32>
    %swap3A_211 = vector.shape_cast %mul3A_204 : vector<40x1x128xf32> to vector<1x40x1x128xf32>
    tpu.vector_store %arg1[%swap3A_205, %swap3A_206, %swap3A_207, %swap3A_208], %swap3A_211 {strides = array<i32>} : memref<9x40x1x128xf32, #tpu.memory_space<vmem>>, vector<1x40x1x128xf32>,
    %get3A_212 = arith.constant 7 : index
    %get3A_213 = arith.constant 0 : index
    %get3A_214 = arith.constant 0 : index
    %get3A_215 = arith.constant 0 : index
    %get3A_216 = vector.load %arg0[%get3A_212, %get3A_213, %get3A_214, %get3A_215] : memref<9x40x1x128xf32, #tpu.memory_space<vmem>>, vector<1x40x1x128xf32>
    %get3A_217 = vector.shape_cast %get3A_216 : vector<1x40x1x128xf32> to vector<40x1x128xf32>
    %mul3A_218 = arith.mulf %get3A_217, %convert_element_type3A_113 : vector<40x1x128xf32>
    %swap3A_219 = arith.constant 7 : index
    %swap3A_220 = arith.constant 0 : index
    %swap3A_221 = arith.constant 0 : index
    %swap3A_222 = arith.constant 0 : index
    %swap3A_223 = vector.load %arg1[%swap3A_219, %swap3A_220, %swap3A_221, %swap3A_222] : memref<9x40x1x128xf32, #tpu.memory_space<vmem>>, vector<1x40x1x128xf32>
    %swap3A_224 = vector.shape_cast %swap3A_223 : vector<1x40x1x128xf32> to vector<40x1x128xf32>
    %swap3A_225 = vector.shape_cast %mul3A_218 : vector<40x1x128xf32> to vector<1x40x1x128xf32>
    tpu.vector_store %arg1[%swap3A_219, %swap3A_220, %swap3A_221, %swap3A_222], %swap3A_225 {strides = array<i32>} : memref<9x40x1x128xf32, #tpu.memory_space<vmem>>, vector<1x40x1x128xf32>,
    %get3A_226 = arith.constant 8 : index
    %get3A_227 = arith.constant 0 : index
    %get3A_228 = arith.constant 0 : index
    %get3A_229 = arith.constant 0 : index
    %get3A_230 = vector.load %arg0[%get3A_226, %get3A_227, %get3A_228, %get3A_229] : memref<9x40x1x128xf32, #tpu.memory_space<vmem>>, vector<1x40x1x128xf32>
    %get3A_231 = vector.shape_cast %get3A_230 : vector<1x40x1x128xf32> to vector<40x1x128xf32>
    %mul3A_232 = arith.mulf %get3A_231, %convert_element_type3A_113 : vector<40x1x128xf32>
    %swap3A_233 = arith.constant 8 : index
    %swap3A_234 = arith.constant 0 : index
    %swap3A_235 = arith.constant 0 : index
    %swap3A_236 = arith.constant 0 : index
    %swap3A_237 = vector.load %arg1[%swap3A_233, %swap3A_234, %swap3A_235, %swap3A_236] : memref<9x40x1x128xf32, #tpu.memory_space<vmem>>, vector<1x40x1x128xf32>
    %swap3A_238 = vector.shape_cast %swap3A_237 : vector<1x40x1x128xf32> to vector<40x1x128xf32>
    %swap3A_239 = vector.shape_cast %mul3A_232 : vector<40x1x128xf32> to vector<1x40x1x128xf32>
    tpu.vector_store %arg1[%swap3A_233, %swap3A_234, %swap3A_235, %swap3A_236], %swap3A_239 {strides = array<i32>} : memref<9x40x1x128xf32, #tpu.memory_space<vmem>>, vector<1x40x1x128xf32>,
    return
  }
}

</mosaic_0001>

<sc_bundles>
// kernel: gather_offload_async_start
scs
__scs_entry_jumppad:
0x0: {  	(pc) =	sbr.rel $0x88, $3  }
0x1: {  	(tag) =	ssettag $0x0;
	lr =	simm.s32 $0x1  }
0x2: {  	[smem:$0x3FA0] =	sst lr;
	_ =	strace $0xD0000000  }
0x3: {  	_ = 	snop  }
0x4: {  	_ = 	snop  }
0x5: {  	_ = 	snop  }
0x6: {  	_ = 	snop  }
0x7: {  	_ = 	snop  }
__scs_overlays_trampoline_lowered:
0x8: {  	[smem:$0x3FAF] =	sst s0  }
0x9: {  	[smem:$0x3FB0] =	sst s1  }
0xa: {  	[smem:$0x3FB1] =	sst s2  }
0xb: {  	[smem:$0x3FB2] =	sst s3  }
0xc: {  	[smem:$0x3FB3] =	sst s4  }
0xd: {  	[smem:$0x3FB4] =	sst s5  }
0xe: {  	[smem:$0x3FB5] =	sst s6  }
0xf: {  	[smem:$0x3FB6] =	sst s7  }
0x10: {  	[smem:$0x3FB7] =	sst s8  }
0x11: {  	[smem:$0x3FB8] =	sst s9;
	s0 =	simm.s32 @!p0 $0x0  }
0x12: {  	s1 =	sld [smem:$0x3F9E];
	s0 =	simm.s32 @p0 $0x1  }
0x13: {  	[smem:$0x3FB9] =	sst s0;
	s0 =	simm.s32 @!p1 $0x0  }
0x14: {  	s2 =	sld [smem:$0x3F9D];
	s0 =	simm.s32 @p1 $0x1  }
0x15: {  	[smem:$0x3FBA] =	sst s0;
	s0 =	simm.s32 @!p2 $0x0  }
0x16: {  	s3 =	sld [smem:$0x3FDB];
	s0 =	simm.s32 @p2 $0x1  }
0x17: {  	s4 =	simm.s32 $0x1BF5;
	[smem:$0x3FBC] =	sst s0  }
0x18: {  	s0 =	sld [smem:$0x3F9F];
	_ =	swait.ge [sflag:s4], $0x0  }
0x19: {  	s7 =	sld [smem:$0x3FA0]  }
0x1a: {  	s8 =	sadd.s32 $0xFFFFE003, lr  }
0x1b: {  	s9 =	sadd.s32 $0xFFFFFEF7, lr;
	s5 =	simm.s32 $0xFFFFFFFF;
	p2 =	slt.u32 s8, $0xFFFFF086  }
0x1c: {  	p1 =	slt.u32 s9, $0xF7A;
	s5 =	simm.s32 @!p2 $0x0  }
0x1d: {  	s5 =	simm.s32 @p1 $0x1;
	p0 =	seq.s32 s7, s2  }
0x1e: {  	s7 =	smul.u32 @!p0 $0xF7A, s2;
	p2 =	seq.s32 @!p0 s5, $0x0  }
0x1f: {  	s9 =	smul.u32 $0xF7A, s1;
	s8 =	simm.s32 @!p0 $0x1BF5;
	p2 =	por !p2, p0  }
0x20: {  	[sflag:s8] =	ssyncset.s32 @!p0 $0xFFFFF086;
	s6 =	sadd.s32 @!p0 s3, s7;
	s7 =	simm.s32 @!p0 $0x108  }
0x21: {  	s3 =	sadd.s32 s3, s9;
	s6 =	sadd.s32 @!p0 $0x88, s6;
	s7 =	simm.s32 @p2 $0x1082  }
0x22: {  	[simem:s7], [sflag:s8] =	dma.local @!p0 [hbm:s6], $0xF7A  }
0x23: {  	s9 =	sor.u32 $0xD0000000, s2;
	s6 =	simm.s32 $0x108;
	_ =	swait.ge @!p0 [sflag:s8], $0x0  }
0x24: {  	s3 =	sadd.s32 $0x88, s3;
	s6 =	simm.s32 @!p1 $0x1082;
	[sflag:s4] =	ssyncset.s32 $0xFFFFF086  }
0x25: {  	[simem:s6], [sflag:s4] =	dma.local [hbm:s3], $0xF7A  }
0x26: {  	[smem:$0x3FA0] =	sst s1;
	(tag) =	ssettag s2;
	_ =	strace s9  }
0x27: {  	s1 =	sld [smem:$0x3FB0]  }
0x28: {  	s2 =	sld [smem:$0x3FB1]  }
0x29: {  	s4 =	sld [smem:$0x3FB3]  }
0x2a: {  	p0 =	seq.s32 s5, $0x0;
	s5 =	sld [smem:$0x3FB4]  }
0x2b: {  	s6 =	sld [smem:$0x3FB5]  }
0x2c: {  	s7 =	sld [smem:$0x3FB6]  }
0x2d: {  	s3 =	simm.s32 $0x108;
	s8 =	sld [smem:$0x3FB7]  }
0x2e: {  	s3 =	simm.s32 @!p0 $0x1082;
	s9 =	sld [smem:$0x3FB8]  }
0x2f: {  	lr =	sadd.s32 s0, s3;
	s0 =	sld [smem:$0x3FAF]  }
0x30: {  	s3 =	sld [smem:$0x3FB2]  }
0x31: {  	[smem:$0x3FBB] =	sst s10  }
0x32: {  	s10 =	sld [smem:$0x3FB9];
	_ =	sdelay $0x3  }
0x33: {  	p0 =	seq.s32 s10, $0x1;
	s10 =	sld [smem:$0x3FBB];
	_ =	sdelay $0x3  }
0x34: {  	[smem:$0x3FBB] =	sst s10  }
0x35: {  	s10 =	sld [smem:$0x3FBA];
	_ =	sdelay $0x3  }
0x36: {  	p1 =	seq.s32 s10, $0x1;
	s10 =	sld [smem:$0x3FBB];
	_ =	sdelay $0x3  }
0x37: {  	[smem:$0x3FBB] =	sst s10  }
0x38: {  	s10 =	sld [smem:$0x3FBC]  }
0x39: {  	_ = 	snop;
	(pc) =	sbr.ind lr, $3  }
0x3a: {  	_ = 	snop  }
0x3b: {  	_ = 	snop  }
0x3c: {  	p2 =	seq.s32 s10, $0x1;
	s10 =	sld [smem:$0x3FBB]  }
0x3d: {  	_ =	shalt  }
0x3e: {  	_ =	shalt  }
0x3f: {  	_ =	shalt  }
0x40: {  	_ =	shalt  }
0x41: {  	_ =	shalt  }
0x42: {  	_ =	shalt  }
0x43: {  	_ =	shalt  }
0x44: {  	_ =	shalt  }
0x45: {  	_ =	shalt  }
0x46: {  	_ =	shalt  }
0x47: {  	_ =	shalt  }
0x48: {  	_ =	shalt  }
0x49: {  	_ =	shalt  }
0x4a: {  	_ =	shalt  }
0x4b: {  	_ =	shalt  }
0x4c: {  	_ =	shalt  }
0x4d: {  	_ =	shalt  }
0x4e: {  	_ =	shalt  }
0x4f: {  	_ =	shalt  }
0x50: {  	_ =	shalt  }
0x51: {  	_ =	shalt  }
0x52: {  	_ =	shalt  }
0x53: {  	_ =	shalt  }
0x54: {  	_ =	shalt  }
0x55: {  	_ =	shalt  }
0x56: {  	_ =	shalt  }
0x57: {  	_ =	shalt  }
0x58: {  	_ =	shalt  }
0x59: {  	_ =	shalt  }
0x5a: {  	_ =	shalt  }
0x5b: {  	_ =	shalt  }
0x5c: {  	_ =	shalt  }
0x5d: {  	_ =	shalt  }
0x5e: {  	_ =	shalt  }
0x5f: {  	_ =	shalt  }
0x60: {  	_ =	shalt  }
0x61: {  	_ =	shalt  }
0x62: {  	_ =	shalt  }
0x63: {  	_ =	shalt  }
0x64: {  	_ =	shalt  }
0x65: {  	_ =	shalt  }
0x66: {  	_ =	shalt  }
0x67: {  	_ =	shalt  }
0x68: {  	_ =	shalt  }
0x69: {  	_ =	shalt  }
0x6a: {  	_ =	shalt  }
0x6b: {  	_ =	shalt  }
0x6c: {  	_ =	shalt  }
0x6d: {  	_ =	shalt  }
0x6e: {  	_ =	shalt  }
0x6f: {  	_ =	shalt  }
0x70: {  	_ =	shalt  }
0x71: {  	_ =	shalt  }
0x72: {  	_ =	shalt  }
0x73: {  	_ =	shalt  }
0x74: {  	_ =	shalt  }
0x75: {  	_ =	shalt  }
0x76: {  	_ =	shalt  }
0x77: {  	_ =	shalt  }
0x78: {  	_ =	shalt  }
0x79: {  	_ =	shalt  }
0x7a: {  	_ =	shalt  }
0x7b: {  	_ =	shalt  }
0x7c: {  	_ =	shalt  }
0x7d: {  	_ =	shalt  }
0x7e: {  	_ =	shalt  }
0x7f: {  	_ =	shalt  }
0x80: {  	_ =	shalt  }
0x81: {  	_ =	shalt  }
0x82: {  	_ =	shalt  }
0x83: {  	_ =	shalt  }
0x84: {  	_ =	shalt  }
0x85: {  	_ =	shalt  }
0x86: {  	_ =	shalt  }
0x87: {  	_ =	shalt  }
.Lfunc_end0:
.L_simem_size_0:
called_computation_lowered:
.L_overlay_start_0:
0x88: {  	s0 =	sld [smem:$0x3FD9]  }
0x89: {  	s1 =	sld [smem:$0x3FFE];
	_ =	sdelay $0x3  }
0x8a: {  	s0 =	sadd.s32 s1, s0  }
0x8b: {  	[smem:$0x3FC7] =	sst s0  }
0x8c: {  	_ = 	snop  }
0x8d: {  	s0 =	sld [smem:$0x3FD0];
	(tm) =	ssettm $0x1  }
0x8e: {  	s16 =	sld [smem:$0x3FFB];
	_ =	sdelay $0x3  }
0x8f: {  	_ =	strace s16  }
0x90: {  	s1 =	sld [smem:$0x3FFC];
	_ =	sdelay $0x3  }
0x91: {  	_ =	strace s1  }
0x92: {  	s1 =	sld [smem:$0x3FFD];
	_ =	sdelay $0x3  }
0x93: {  	_ =	strace s1  }
0x94: {  	_ =	strace $0x8FFFFFFF  }
0x95: {  	s17 =	sld [smem:$0x3FDB];
	_ =	sdelay $0x1  }
0x96: {  	s2 =	simm.s32 $_scs_section_size  }
0x97: {  	s3 =	simm.s32 $_size__tile_overlayer_lowered;
	s4 =	simm.s32 $_tile_overlayer_lowered  }
0x98: {  	s20 =	simm.s32 $0x1BFF;
	s19 =	sshll.u32 s4, $0x1;
	s1 =	sadd.s32 s2, s17  }
0x99: {  	s5 =	simm.s32 $0x0;
	s18 =	sshll.u32 s3, $0x1;
	s3 =	sadd.s32 s19, s1  }
0x9a: {  	[timem:s5], [sflag:s20] =	dma.local [hbm:s3], s18  }
0x9b: {  	_ =	swait.ge [sflag:s20], s18  }
0x9c: {  	s2 =	ssub.s32 $0x0, s18;
	[sflag:s20] =	ssyncset.done $0x0  }
0x9d: {  	[sflag:s20] =	ssyncadd.s32 s2;
	_ =	sdelay $0x1  }
0x9e: {  	s21 =	simm.s32 $0x1B8B  }
0x9f: {  	_ =	swait.ge [sflag:s21], $0x1  }
0xa0: {  	[sflag:s21] =	ssyncset.done $0x0  }
0xa1: {  	s23 =	simm.s32 $0x1B8E;
	s22 =	sld [smem:$0x3FFE];
	[sflag:s21] =	ssyncadd.s32 $0xFFFFFFFF  }
0xa2: {  	s24 =	simm.s32 $execute0_lowered;
	[smem:$0x3FD2] =	sst s23  }
0xa3: {  	s3 =	sshll.u32 s24, $0x1;
	_ =	strace $0x80000046;
	[dreg:$0x1] =	wrdreg $0xFFFFFFFF  }
0xa4: {  	s25 =	simm.s32 $_size_execute0_lowered;
	s1 =	sadd.s32 s1, s3;
	[dreg:$0x0] =	wrdreg $0x0  }
0xa5: {  	s3 =	sshll.u32 s25, $0x1;
	[dreg:$0x2] =	wrdreg s1  }
0xa6: {  	[dreg:$0x3] =	wrdreg s3  }
0xa7: {  	[dreg:$0x4] =	wrdreg $0xC0  }
0xa8: {  	_ =	task [dreg:s5], $0x5FFFF  }
0xa9: {  	[dreg:$0x1] =	wrdreg $0xFFFFFFFF  }
0xaa: {  	[dreg:$0x0] =	wrdreg $0x60  }
0xab: {  	[dreg:$0x2] =	wrdreg s22  }
0xac: {  	[dreg:$0x3] =	wrdreg s0  }
0xad: {  	[dreg:$0x4] =	wrdreg $0x9  }
0xae: {  	_ =	task.clear_ibuf [dreg:s5], $0x5FFFF;
	_ =	strace $0x90000046  }
0xaf: {  	s26 =	simm.s32 $0x9;
	_ =	strace $0x80000048  }
0xb0: {  	_ =	swait.ge [sflag:s26], $0x1  }
0xb1: {  	[sflag:s26] =	ssyncadd.s32 $0xFFFFFFFF  }
0xb2: {  	_ =	strace $0x90000048  }
0xb3: {  	_ =	sfence  }
0xb4: {  	s28 =	sld [smem:$0x0];
	_ =	sdelay $0x1  }
0xb5: {  	s29 =	srdreg.scid  }
0xb6: {  	s30 =	sshll.u32 s29, $0xD;
	s31 =	sshrl.u32 s29, $0x2  }
0xb7: {  	s2 =	sand.u32 $0x4000, s30;
	s1 =	sand.u32 $0x1, s29;
	s0 =	sadd.s32 s31, s28  }
0xb8: {  	s1 =	sor.u32 s2, s1;
	s0 =	sshll.u32 s0, $0x11  }
0xb9: {  	s0 =	sor.u32 s0, s1  }
0xba: {  	s0 =	sadd.s32 $0x8F2B, s0  }
0xbb: {  	[sflag:s0] =	ssyncadd.remote.s32 $0x1  }
0xbc: {  	_ =	sfence.sel $0xFFFF  }
0xbd: {  	[dreg:$0x0] =	wrdreg $0xFFFFFFFF;
	(pc) =	sbr.abs _section_cstart, $3  }
0xbe: {  	[dreg:$0x1] =	wrdreg $0xFFFFFFFF  }
0xbf: {  	_ =	task.clear_ibuf [dreg:s5], $0x2FFFF;
	_ =	strace $0x9FFFFFFF  }
0xc0: {  	(tm) =	ssettm $0x7FFFFFFF  }
0xc1: {  	_ =	shalt  }
tec
execute0_lowered:
.L_overlay_start_1:
0x0: {  	(tag) =	ssettag $0x1  }
0x1: {  	s0 =	stileid.u32  }
0x2: {  	s1 =	smin.u32 s0, $0x9  }
0x3: {  	s1 =	sadd.s32 s0, s1  }
0x4: {  	s2 =	simm.s32 $0x190;
	p0 =	slt.u32 s0, $0x9;
	s1 =	smul.u32 $0xC8, s1  }
0x5: {  	s2 =	simm.s32 @!p0 $0xC8  }
0x6: {  	s2 =	sadd.s32 s2, s1  }
0x7: {  	s3 =	smin.u32 s2, $0x1388  }
0x8: {  	s7 =	ssub.s32 s3, s1  }
0x9: {  	p0 =	sgt.s32 s7, $0x0  }
0xa: {  	s7 =	simm.s32 @!p0 $0x0  }
0xb: {  	s31 =	sand.u32 $0xFFF8, s7  }
0xc: {  	s2 =	sshrl.u32 s31, $0x3  }
0xd: {  	s4 =	rddreg [dreg:$0x0];
	s2 =	smul.u32 $0x147B, s2  }
0xe: {  	s5 =	rddreg [dreg:$0x1]  }
0xf: {  	s6 =	simm.s32 $0x1;
	s10 =	simm.s32 $0x3;
	s8 =	sshrl.u32 s2, $0x11  }
0x10: {  	s13 =	simm.s32 $0x0;
	s12 =	simm.s32 $0x0;
	s9 =	smul.u32 $0xC8, s8  }
.Ltmp0:
0x11: {  	s11 =	smov.u32 s1;
	s2 =	rddreg [dreg:$0x2];
	(pc) =	sbr.rel .LBB2_1-.Ltmp0, $4  }
0x12: {  	_ =	strace $0x80000047;
	p0 =	sne.s32 s7, s9;
	s9 =	simm.s32 $0x1  }
0x13: {  	[sflag:s6] =	ssyncpa.u1 $0x0;
	s7 =	simm.s32 $0x2;
	s9 =	simm.s32 @!p0 $0x0  }
0x14: {  	[sflag:s7] =	ssyncpa.u1 $0x0;
	p0 =	por $0x0, $0x0;
	s8 =	sadd.s32 s8, s9  }
0x15: {  	vm0 =	vmmov $0xff;
	vm1 =	vcmask $0x3F20;
	s9 =	sadd.s32 $0x13A00, s4;
	[sflag:s10] =	ssyncpa.u1 $0x0;
	s10 =	sadd.s32 $0x1, s8  }
.LBB2_6:
0x16: {  	[hbm:s17] =	stream.linear.scatter [tilespmem:s14], [sflag:$0x3], $0x400, $0x38;
	[tilespmem:$0xC990] =	vst v63  }
.LBB2_7:
0x17: {  	s13 =	sadd.s32 $0xC8, s11  }
0x18: {  	s15 =	smov.u32 s1;
	p2 =	slt.s32 s13, s3  }
0x19: {  	s15 =	smov.u32 @p2 s13;
	p2 =	sne.s32 s12, s10  }
.Ltmp1:
0x1a: {  	p1 =	slt.u32 s12, $0x2;
	(pc) =	sbr.rel @!p2 .LBB2_8-.Ltmp1, $4  }
0x1b: {  	s14 =	simm.s32 @!p1 $0x3  }
0x1c: {  	s16 =	sadd.s32 $0x1, s12;
	_ =	swait.ge @!p1 [sflag:s14], $0x6400  }
0x1d: {  	p0 =	por !p0, !p0;
	s13 =	smov.u32 s11;
	[sflag:s14] =	ssyncset.done @!p1 $0x0  }
0x1e: {  	s12 =	smov.u32 s16;
	s11 =	smov.u32 s15;
	[sflag:s14] =	ssyncadd.s32 @!p1 $0xFFFF9C00  }
.LBB2_1:
0x1f: {  	p1 =	sge.u32 s12, s8  }
0x20: {  	s14 =	sxor.u32 @!p1 $0xFFFFFFFF, s12  }
0x21: {  	s14 =	sand.u32 @!p1 $0x1, s14  }
0x22: {  	s14 =	smul.u32 @!p1 $0x320, s14  }
0x23: {  	s31 =	sadd.s32 $0xFFFFFFFF, s12;
	s15 =	sshrl.u32 @!p1 s11, $0x3  }
0x24: {  	s16 =	sand.u32 @!p1 $0x7, s11;
	s15 =	sadd.s32 @!p1 s5, s15;
	s14 =	sshrl.u32 @!p1 s14, $0x2  }
0x25: {  	[tilespmem:s14], [sflag:$0x2] =	stream.linear.gather @!p1 [hbm4b:s15+s16], $0xC8, $0x38;
	[tilespmem:$0xC990] =	vst v63  }
0x26: {  	p1 =	sge.u32 s31, s8  }
.Ltmp2:
0x27: {  	_ = 	snop;
	(pc) =	sbr.rel @p1 .LBB2_7-.Ltmp2, $1  }
0x28: {  	_ =	sdelay $0x3  }
0x29: {  	s14 =	simm.s32 $0x1  }
0x2a: {  	s14 =	simm.s32 @!p0 $0x0  }
0x2b: {  	s15 =	smul.u32 $0x320, s14  }
0x2c: {  	_ =	swait.ge [sflag:s7], $0xC8  }
0x2d: {  	[sflag:s7] =	ssyncset.done $0x0;
	s16 =	sshrl.u32 s15, $0x2  }
0x2e: {  	[sflag:s7] =	ssyncadd.s32 $0xFFFFFF38;
	s15 =	sadd.s32 $0x0, s16  }
0x2f: {  	v0 =	vld.msk [tilespmem:s15+$0x0 ss:$0x1], $0xffff;
	_ =	sdelay $0x4  }
0x30: {  	vm2 =	vgt.s32 v0, $0x0  }
0x31: {  	v0 =	vnsel vm2, $0x0, v0  }
0x32: {  	v0 =	vmin.u32 v0, $0x1387  }
0x33: {  	v0 =	vshll.u32 v0, $0x4  }
0x34: {  	s14 =	smul.u32 $0x19000, s14  }
0x35: {  	s31 =	sand.u32 $0x1, s12  }
0x36: {  	s17 =	smul.u32 $0x320, s31;
	s14 =	sshrl.u32 s14, $0x2  }
0x37: {  	s19 =	smul.u32 $0x19000, s31;
	s14 =	sor.u32 $0x190, s14  }
0x38: {  	[tilespmem:s14], [sflag:$0x1] =	stream.indirect_vreg.gather [hbm:s4], $0x80, v0, vm0, $0x38;
	[tilespmem:$0xC990] =	vst v63  }
0x39: {  	s18 =	sshrl.u32 s17, $0x2;
	s20 =	sadd.s32 $0x10, s16;
	s15 =	sadd.s32 $0x400, s14  }
0x3a: {  	[tilespmem:s15], [sflag:$0x1] =	stream.indirect_vreg.gather [hbm:s4], $0x80, v0, vm1, $0x38;
	[tilespmem:$0xC990] =	vst v63  }
0x3b: {  	s17 =	sshrl.u32 s19, $0x2;
	s19 =	smov.u32 s14;
	v0 =	vld.msk [tilespmem:s20+$0x0 ss:$0x1], $0xffff;
	s20 =	simm.s32 $0x80  }
.LBB2_3:
0x3c: {  	p1 =	sne.s32 s20, $0x2C0;
	_ =	sdelay $0x4  }
0x3d: {  	vm2 =	vgt.s32 v0, $0x0  }
0x3e: {  	v0 =	vnsel vm2, $0x0, v0  }
0x3f: {  	v0 =	vmin.u32 v0, $0x1387  }
0x40: {  	v0 =	vshll.u32 v0, $0x4;
	_ =	sdelay $0x3  }
.Ltmp3:
0x41: {  	s21 =	sshra.s32 s20, $0x2;
	s19 =	sadd.s32 $0x800, s19;
	(pc) =	sbr.rel @p1 .LBB2_3-.Ltmp3, $4  }
0x42: {  	[tilespmem:s19], [sflag:$0x1] =	stream.indirect_vreg.gather [hbm:s4], $0x80, v0, vm0, $0x38;
	[tilespmem:$0xC990] =	vst v63  }
0x43: {  	s21 =	sadd.s32 s21, s16;
	s22 =	sadd.s32 $0x400, s19  }
0x44: {  	[tilespmem:s22], [sflag:$0x1] =	stream.indirect_vreg.gather [hbm:s4], $0x80, v0, vm1, $0x38;
	[tilespmem:$0xC990] =	vst v63  }
0x45: {  	s20 =	sadd.s32 $0x40, s20;
	v0 =	vld.msk [tilespmem:s21+$0x0 ss:$0x1], $0xffff  }
0x46: {  	_ =	sdelay $0x3  }
0x47: {  	vm2 =	vgt.s32 v0, $0x0  }
0x48: {  	v0 =	vnsel vm2, $0x0, v0  }
0x49: {  	v0 =	vmin.u32 v0, $0x1387  }
0x4a: {  	v0 =	vshll.u32 v0, $0x4;
	_ =	sdelay $0x3  }
0x4b: {  	s16 =	sadd.s32 $0x800, s19  }
0x4c: {  	[tilespmem:s16], [sflag:$0x1] =	stream.indirect_vreg.gather [hbm:s4], $0x80, v0, vm0, $0x38;
	[tilespmem:$0xC990] =	vst v63  }
0x4d: {  	s16 =	sadd.s32 $0x400, s16  }
0x4e: {  	[tilespmem:s16], [sflag:$0x1] =	stream.indirect_vreg.gather [hbm:s4], $0x80, v0, vm1, $0x38;
	[tilespmem:$0xC990] =	vst v63  }
0x4f: {  	v0 =	vld.msk [tilespmem:s18+$0xC0 ss:$0x1], $0xff;
	_ =	sdelay $0x4  }
0x50: {  	vm2 =	vgt.s32 v0, $0x0  }
0x51: {  	v0 =	vnsel vm2, $0x0, v0  }
0x52: {  	v0 =	vmin.u32 v0, $0x1387  }
0x53: {  	v0 =	vshll.u32 v0, $0x4;
	_ =	sdelay $0x3  }
0x54: {  	s31 =	sadd.s32 $0x6190, s17  }
0x55: {  	[tilespmem:s31], [sflag:$0x1] =	stream.indirect_vreg.gather [hbm:s4], $0x80, v0, vm0, $0x38;
	[tilespmem:$0xC990] =	vst v63  }
0x56: {  	s13 =	sshll.u32 s13, $0x4;
	_ =	swait.ge [sflag:s6], $0x6400  }
0x57: {  	s13 =	sadd.s32 s13, s9;
	[sflag:s6] =	ssyncset.done $0x0  }
0x58: {  	s17 =	sadd.s32 $0x0, s13;
	s16 =	simm.s32 $0x80;
	[sflag:s6] =	ssyncadd.s32 $0xFFFF9C00  }
.LBB2_5:
0x59: {  	[hbm:s17] =	stream.linear.scatter [tilespmem:s14], [sflag:$0x3], $0x400, $0x38;
	[tilespmem:$0xC990] =	vst v63  }
0x5a: {  	s17 =	smov.u32 s16;
	s14 =	smov.u32 s15;
	p1 =	sne.s32 s16, $0xC00  }
.Ltmp4:
0x5b: {  	s16 =	sadd.s32 $0x80, s16;
	(pc) =	sbr.rel @p1 .LBB2_5-.Ltmp4, $2  }
0x5c: {  	_ =	sdelay $0x2  }
0x5d: {  	s15 =	sadd.s32 $0x400, s15;
	s17 =	sadd.s32 s17, s13  }
.Ltmp5:
0x5e: {  	_ = 	snop;
	(pc) =	sbr.rel .LBB2_6-.Ltmp5, $1  }
0x5f: {  	_ =	sdelay $0x3  }
.LBB2_8:
0x60: {  	_ =	sfence.sel $0x180000  }
0x61: {  	s1 =	simm.s32 $0x2;
	[bflag:$0x0] =	sbarrier.arrive $0xFFFF  }
0x62: {  	s30 =	simm.s32 $0x3;
	[sflag:s1] =	ssyncpa.u1 $0x1  }
0x63: {  	s31 =	simm.s32 $0x1;
	[sflag:s30] =	ssyncpa.u1 $0x1  }
0x64: {  	[sflag:s31] =	ssyncpa.u1 $0x1  }
0x65: {  	p0 =	sne.s32 s0, $0x0;
	_ =	strace $0x90000047  }
0x66: {  	s0 =	sadd.s32 @!p0 $0x100000, s2;
	[bflag:$0x2] =	sbarrier.arrive $0xFFFF  }
0x67: {  	[sflag:s0] =	ssyncadd.tile.s32 @!p0 $0x1;
	_ =	shalt  }
.Lfunc_end2:
_tile_overlayer_lowered:
.L_overlay_start_2:
0x68: {  	(tag) =	ssettag $0x2  }
0x69: {  	s0 =	rddreg [dreg:$0x0];
	s2 =	stileid.u32  }
0x6a: {  	s1 =	rddreg [dreg:$0x1];
	p0 =	sne.s32 s2, $0x0  }
0x6b: {  	s3 =	rddreg [dreg:$0x2];
	[bflag:$0x3] =	sbarrier.arrive $0xFFFF;
	s2 =	simm.s32 @!p0 $0x1C01  }
0x6c: {  	[timem:s3], [sflag:s2] =	dma.local @!p0 [hbm:s0], s1  }
0x6d: {  	s0 =	simm.s32 @!p0 $0x1  }
0x6e: {  	_ =	swait.ge @!p0 [sflag:s0], s1  }
0x6f: {  	s1 =	ssub.s32 @!p0 $0x0, s1;
	[sflag:s0] =	ssyncset.done @!p0 $0x0  }
0x70: {  	[sflag:s0] =	ssyncadd.s32 @!p0 s1  }
0x71: {  	[bflag:$0x3] =	sbarrier.arrive $0xFFFF  }
0x72: {  	_ =	shalt  }

</sc_bundles>
